<compile_context>
chip_gen: v7x
topology: tpu7x:2x2x1
jax: 0.10.2.dev20260603
libtpu: 0.0.44.dev20260713+nightly
codegen_flags: <defaults>
</compile_context>

<pallas_src>
import functools

import jax
import jax.numpy as jnp
from jax.experimental import pallas as pl
from jax.experimental.pallas import tpu as pltpu
from jax.experimental.pallas import tpu_sc as plsc

C_IN = 128
M_OUT = 256
ROW_TILE = 16384
_NSUB = 16
_JPW = C_IN // _NSUB
_OI_PAD = C_IN + 16


def _sc_fold_body(oi_hbm, ti_hbm, w_hbm, w2_hbm, oi_v, ti_v, wg_v, acc_v,
                  sem_oi, sem_wg):
    c = jax.lax.axis_index("c")
    s = jax.lax.axis_index("s")

    @pl.when(c == 0)
    def _():
        oi_cp = pltpu.async_copy(oi_hbm, oi_v.at[:, pl.ds(0, C_IN)], sem_oi)
        pltpu.sync_copy(ti_hbm, ti_v)
        wg_cp = pltpu.async_copy(w_hbm.at[ti_v.at[0]], wg_v, sem_wg)

        lo = s * _JPW

        @pl.loop(0, _JPW)
        def _(r):
            @pl.loop(0, M_OUT, step=16)
            def _(k):
                acc_v.at[r, pl.ds(k, 16)][...] = jnp.zeros((16,), jnp.float32)

        oi_cp.wait()
        wg_cp.wait()

        @pl.loop(0, C_IN)
        def _(j):
            t = oi_v[0, pl.ds(j, 16)][0]
            local = t - lo

            @pl.when(jnp.logical_and(t >= lo, t < lo + _JPW))
            def _():
                @pl.loop(0, M_OUT, step=16)
                def _(k):
                    acc_v.at[local, pl.ds(k, 16)][...] = (
                        acc_v.at[local, pl.ds(k, 16)][...]
                        + wg_v.at[j, pl.ds(k, 16)][...]
                    )

        pltpu.sync_copy(acc_v, w2_hbm.at[pl.ds(lo, _JPW)])


def _mix_kernel(w2_ref, b_ref, x_ref, o_ref):
    o_ref[...] = (
        jnp.dot(x_ref[...], w2_ref[...], preferred_element_type=jnp.float32)
        + b_ref[...]
    )


@functools.partial(jax.jit, static_argnames=())
def kernel(eeg, orig_idx, target_idx, W, b):
    B, T, C = eeg.shape
    M = W.shape[1]
    oi = orig_idx.astype(jnp.int32).reshape(1, C_IN)
    ti = target_idx.astype(jnp.int32).reshape(1, C_IN)

    sc_fold = pl.kernel(
        _sc_fold_body,
        out_type=jax.ShapeDtypeStruct((C_IN, M_OUT), jnp.float32),
        mesh=plsc.VectorSubcoreMesh(core_axis_name="c", subcore_axis_name="s",
                                    num_cores=1),
        scratch_types=[
            pltpu.VMEM((1, _OI_PAD), jnp.int32),
            pltpu.VMEM((1, C_IN), jnp.int32),
            pltpu.VMEM((C_IN, M_OUT), jnp.float32),
            pltpu.VMEM((_JPW, M_OUT), jnp.float32),
            pltpu.SemaphoreType.DMA,
            pltpu.SemaphoreType.DMA,
        ],
    )
    w2 = sc_fold(oi, ti, W)

    x = eeg.reshape(B * T, C)
    rows = B * T
    out = pl.pallas_call(
        _mix_kernel,
        grid=(rows // ROW_TILE,),
        in_specs=[
            pl.BlockSpec((C_IN, M_OUT), lambda i: (0, 0)),
            pl.BlockSpec((1, M_OUT), lambda i: (0, 0)),
            pl.BlockSpec((ROW_TILE, C_IN), lambda i: (i, 0)),
        ],
        out_specs=pl.BlockSpec((ROW_TILE, M_OUT), lambda i: (i, 0)),
        out_shape=jax.ShapeDtypeStruct((rows, M_OUT), jnp.float32),
        compiler_params=pltpu.CompilerParams(
            dimension_semantics=("arbitrary",),
            vmem_limit_bytes=120 * 1024 * 1024,
        ),
    )(w2, b.reshape(1, M_OUT), x)
    return out.reshape(B, T, M)

# --- scband reference (transcript-rebuilt; emitter-appended) ---
"""Pipeline reference for scband-channel1-dmixer-1365799600375 (READ-ONLY COPY).

The authoritative reference and input builder live on the scoring server;
editing this copy changes nothing except your own understanding.
"""

import jax, jax.numpy as jnp
import numpy as np

NUM_ELECTRODES = 128
NUM_MIX_OUT = 256

def setup_inputs(seed: int = 0) -> dict:
    key = jax.random.key(seed)
    k1, k2, k3, k4 = jax.random.split(key, 4)
    eeg = jax.random.normal(k1, (64, 2048, 128), dtype=jnp.float32)
    # original dataset channel positions (gather indices; duplicates are safe for gather)
    orig_idx = jax.random.randint(k2, (128,), 0, NUM_ELECTRODES)
    # canonical CHANNEL1D_ENUM slots (unique scatter targets for determinism)
    target_idx = jnp.arange(NUM_ELECTRODES, dtype=jnp.int64)
    # EinMix('b t c -> b t m', weight_shape='c m', bias_shape='m') parameters
    W = jax.random.normal(k3, (NUM_ELECTRODES, NUM_MIX_OUT), dtype=jnp.float32) * 0.05
    b = jax.random.normal(k4, (NUM_MIX_OUT,), dtype=jnp.float32) * 0.05
    return {"eeg": eeg, "orig_idx": orig_idx, "target_idx": target_idx, "W": W, "b": b}

def reference(eeg, orig_idx, target_idx, W, b):
    # Channel1D: scatter source channels into canonical enum slots (zeros elsewhere)
    y = jnp.zeros(eeg.shape[:-1] + (NUM_ELECTRODES,), dtype=eeg.dtype)
    y = y.at[:, :, target_idx].set(eeg[:, :, orig_idx])
    # Channel1DMixer: EinMix 'b t c -> b t m' with weight [c, m] and bias [m]
    out = jnp.einsum('btc,cm->btm', y, W) + b
    return out

if __name__ == "__main__":
    import jax
    _d = setup_inputs()
    print(jax.jit(kernel)(*tuple(_d.values())))

</pallas_src>

<mosaic_0001>
#map = affine_map<(d0, d1) -> (0, 0)>
module attributes {stable_mosaic.version = 14 : i64} {
  func.func @_sc_fold_body(%arg0: i32, %arg1: i32, %arg2: memref<1x128xi32, #tpu.memory_space<hbm>>, %arg3: memref<1x128xi32, #tpu.memory_space<hbm>>, %arg4: memref<128x256xf32, #tpu.memory_space<hbm>>, %arg5: memref<128x256xf32, #tpu.memory_space<hbm>>, %arg6: memref<1x144xi32, #tpu.memory_space<vmem>>, %arg7: memref<1x128xi32, #tpu.memory_space<vmem>>, %arg8: memref<128x256xf32, #tpu.memory_space<vmem>>, %arg9: memref<8x256xf32, #tpu.memory_space<vmem>>, %arg10: memref<!tpu.dma_semaphore, #tpu.memory_space<semaphore_mem>>, %arg11: memref<!tpu.dma_semaphore, #tpu.memory_space<semaphore_mem>>) attributes {dimension_semantics = [#tpu.dimension_semantics<core_parallel>, #tpu.dimension_semantics<subcore_parallel>], iteration_bounds = array<i64: 1, 16>, scalar_prefetch = 0 : i64, scratch_operands = 6 : i64, tpu.core_type = #tpu.core_type<sc_vector_subcore>, window_params = [{transform_indices = #map}, {transform_indices = #map}, {transform_indices = #map}, {transform_indices = #map}]} {
    %eq3A = arith.constant 0 : i32
    %eq3A_0 = arith.cmpi eq, %arg0, %eq3A : i32
    %convert_element_type3A = arith.extui %eq3A_0 : i1 to i32
    %cond3A = arith.constant 0 : i32
    %cond3A_1 = arith.cmpi ne, %convert_element_type3A, %cond3A : i32
    scf.if %cond3A_1 {
      %dma_start3A = arith.constant 0 : i32
      %dma_start3A_2 = arith.constant 0 : i32
      %dma_start3A_3 = tpu.memref_slice %arg6[%dma_start3A, %dma_start3A_2] : memref<1x144xi32, #tpu.memory_space<vmem>> -> memref<1x128xi32, #tpu.memory_space<vmem>>
      %dma_start3A_4 = arith.constant 0 : i32
      %dma_start3A_5 = arith.constant 0 : i32
      %dma_start3A_6 = tpu.memref_slice %arg6[%dma_start3A_4, %dma_start3A_5] : memref<1x144xi32, #tpu.memory_space<vmem>> -> memref<1x128xi32, #tpu.memory_space<vmem>>
      tpu.enqueue_dma source(%arg2 : memref<1x128xi32, #tpu.memory_space<hbm>>) target(%dma_start3A_6 : memref<1x128xi32, #tpu.memory_space<vmem>>) target_semaphore(%arg10 : memref<!tpu.dma_semaphore, #tpu.memory_space<semaphore_mem>>)
      "tpu.region"() ({
        %run_scoped3A = tpu.sem_alloc : memref<!tpu.dma_semaphore, #tpu.memory_space<semaphore_mem>>
        tpu.enqueue_dma source(%arg3 : memref<1x128xi32, #tpu.memory_space<hbm>>) target(%arg7 : memref<1x128xi32, #tpu.memory_space<vmem>>) target_semaphore(%run_scoped3A : memref<!tpu.dma_semaphore, #tpu.memory_space<semaphore_mem>>)
        tpu.wait_dma2 semaphore(%run_scoped3A : memref<!tpu.dma_semaphore, #tpu.memory_space<semaphore_mem>>) src(%arg3 : memref<1x128xi32, #tpu.memory_space<hbm>>) dst(%arg7 : memref<1x128xi32, #tpu.memory_space<vmem>>)
        tpu.yield
      }) : () -> ()
      %dma_start3A_7 = arith.constant 0 : i32
      %dma_start3A_8 = arith.constant 0 : i32
      %dma_start3A_9 = tpu.memref_slice %arg7[%dma_start3A_7, %dma_start3A_8] : memref<1x128xi32, #tpu.memory_space<vmem>> -> memref<1x128xi32, #tpu.memory_space<vmem>>
      %dma_start3A_10 = tpu.memref_squeeze %dma_start3A_9 : memref<1x128xi32, #tpu.memory_space<vmem>> -> memref<128xi32, #tpu.memory_space<vmem>>
      %dma_start3A_11 = arith.constant 0 : i32
      %dma_start3A_12 = arith.constant 0 : i32
      %dma_start3A_13 = tpu.memref_slice %arg4[%dma_start3A_11, %dma_start3A_12] : memref<128x256xf32, #tpu.memory_space<hbm>> -> memref<128x256xf32, #tpu.memory_space<hbm>>
      tpu.enqueue_indirect_dma source(%dma_start3A_13 : memref<128x256xf32, #tpu.memory_space<hbm>>) target(%arg8 : memref<128x256xf32, #tpu.memory_space<vmem>>) offsets(%dma_start3A_10 : memref<128xi32, #tpu.memory_space<vmem>>) semaphore(%arg11 : memref<!tpu.dma_semaphore, #tpu.memory_space<semaphore_mem>>)
      %mul3A = arith.constant 8 : i32
      %mul3A_14 = arith.muli %arg1, %mul3A : i32
      %scan3A = arith.constant 0 : i32
      %scan3A_15 = arith.constant 8 : i32
      %scan3A_16 = arith.addi %scan3A, %scan3A_15 : i32
      %scan3A_17 = arith.constant 1 : i32
      scf.for %scan3A_36 = %scan3A to %scan3A_16 step %scan3A_17  : i32 {
        %mul3A_37 = arith.constant 1 : i32
        %mul3A_38 = arith.muli %scan3A_36, %mul3A_37 : i32
        %add3A = arith.constant 0 : i32
        %add3A_39 = arith.addi %add3A, %mul3A_38 : i32
        %scan3A_40 = arith.constant 0 : i32
        %scan3A_41 = arith.constant 16 : i32
        %scan3A_42 = arith.addi %scan3A_40, %scan3A_41 : i32
        %scan3A_43 = arith.constant 1 : i32
        scf.for %scan3A_45 = %scan3A_40 to %scan3A_42 step %scan3A_43  : i32 {
          %mul3A_46 = arith.constant 16 : i32
          %mul3A_47 = arith.muli %scan3A_45, %mul3A_46 : i32
          %add3A_48 = arith.constant 0 : i32
          %add3A_49 = arith.addi %add3A_48, %mul3A_47 : i32
          %broadcast_in_dim3A = arith.constant 0.000000e+00 : f32
          %broadcast_in_dim3A_50 = vector.broadcast %broadcast_in_dim3A : f32 to vector<16xf32>
          %swap3A = arith.index_cast %add3A_39 : i32 to index
          %swap3A_51 = arith.index_cast %add3A_49 : i32 to index
          %swap3A_52 = tpu.vector_load %arg9[%swap3A, %swap3A_51] {strides = array<i32>} : memref<8x256xf32, #tpu.memory_space<vmem>>, vector<1x16xf32>,
          %swap3A_53 = vector.shape_cast %swap3A_52 : vector<1x16xf32> to vector<16xf32>
          %swap3A_54 = vector.shape_cast %broadcast_in_dim3A_50 : vector<16xf32> to vector<1x16xf32>
          tpu.vector_store %arg9[%swap3A, %swap3A_51], %swap3A_54 {strides = array<i32>} : memref<8x256xf32, #tpu.memory_space<vmem>>, vector<1x16xf32>,
        }
        %scan3A_44 = arith.constant 16 : i32
      }
      %scan3A_18 = arith.constant 8 : i32
      %dma_wait3A = arith.constant 0 : i32
      %dma_wait3A_19 = arith.constant 0 : i32
      %dma_wait3A_20 = tpu.memref_slice %arg6[%dma_wait3A, %dma_wait3A_19] : memref<1x144xi32, #tpu.memory_space<vmem>> -> memref<1x128xi32, #tpu.memory_space<vmem>>
      %dma_wait3A_21 = arith.constant 0 : i32
      %dma_wait3A_22 = arith.constant 0 : i32
      %dma_wait3A_23 = tpu.memref_slice %arg6[%dma_wait3A_21, %dma_wait3A_22] : memref<1x144xi32, #tpu.memory_space<vmem>> -> memref<1x128xi32, #tpu.memory_space<vmem>>
      tpu.wait_dma2 semaphore(%arg10 : memref<!tpu.dma_semaphore, #tpu.memory_space<semaphore_mem>>) src(%arg2 : memref<1x128xi32, #tpu.memory_space<hbm>>) dst(%dma_wait3A_23 : memref<1x128xi32, #tpu.memory_space<vmem>>)
      %dma_wait3A_24 = arith.constant 0 : i32
      %dma_wait3A_25 = arith.constant 0 : i32
      %dma_wait3A_26 = tpu.memref_slice %arg7[%dma_wait3A_24, %dma_wait3A_25] : memref<1x128xi32, #tpu.memory_space<vmem>> -> memref<1x128xi32, #tpu.memory_space<vmem>>
      %dma_wait3A_27 = tpu.memref_squeeze %dma_wait3A_26 : memref<1x128xi32, #tpu.memory_space<vmem>> -> memref<128xi32, #tpu.memory_space<vmem>>
      %dma_wait3A_28 = arith.constant 0 : i32
      %dma_wait3A_29 = arith.constant 0 : i32
      %dma_wait3A_30 = tpu.memref_slice %arg4[%dma_wait3A_28, %dma_wait3A_29] : memref<128x256xf32, #tpu.memory_space<hbm>> -> memref<128x256xf32, #tpu.memory_space<hbm>>
      tpu.wait_indirect_dma semaphore(%arg11 : memref<!tpu.dma_semaphore, #tpu.memory_space<semaphore_mem>>) src(%dma_wait3A_30 : memref<128x256xf32, #tpu.memory_space<hbm>>) dst(%arg8 : memref<128x256xf32, #tpu.memory_space<vmem>>)
      %scan3A_31 = arith.constant 0 : i32
      %scan3A_32 = arith.constant 128 : i32
      %scan3A_33 = arith.addi %scan3A_31, %scan3A_32 : i32
      %scan3A_34 = arith.constant 1 : i32
      scf.for %scan3A_36 = %scan3A_31 to %scan3A_33 step %scan3A_34  : i32 {
        %mul3A_37 = arith.constant 1 : i32
        %mul3A_38 = arith.muli %scan3A_36, %mul3A_37 : i32
        %add3A = arith.constant 0 : i32
        %add3A_39 = arith.addi %add3A, %mul3A_38 : i32
        %get3A = arith.constant 0 : i32
        %get3A_40 = arith.index_cast %get3A : i32 to index
        %get3A_41 = arith.index_cast %add3A_39 : i32 to index
        %get3A_42 = tpu.vector_load %arg6[%get3A_40, %get3A_41] {strides = array<i32>} : memref<1x144xi32, #tpu.memory_space<vmem>>, vector<1x16xi32>,
        %get3A_43 = vector.shape_cast %get3A_42 : vector<1x16xi32> to vector<16xi32>
        %slice3A = vector.extract_strided_slice %get3A_43 {offsets = [0], sizes = [1], strides = [1]} : vector<16xi32> to vector<1xi32>
        %squeeze3A = vector.extract %slice3A[0] : i32 from vector<1xi32>
        %sub3A = arith.subi %squeeze3A, %mul3A_14 : i32
        %ge3A = arith.cmpi sge, %squeeze3A, %mul3A_14 : i32
        %add3A_44 = arith.constant 8 : i32
        %add3A_45 = arith.addi %mul3A_14, %add3A_44 : i32
        %lt3A = arith.cmpi slt, %squeeze3A, %add3A_45 : i32
        %and3A = arith.andi %ge3A, %lt3A : i1
        %convert_element_type3A_46 = arith.extui %and3A : i1 to i32
        %cond3A_47 = arith.constant 0 : i32
        %cond3A_48 = arith.cmpi ne, %convert_element_type3A_46, %cond3A_47 : i32
        scf.if %cond3A_48 {
          %scan3A_49 = arith.constant 0 : i32
          %scan3A_50 = arith.constant 16 : i32
          %scan3A_51 = arith.addi %scan3A_49, %scan3A_50 : i32
          %scan3A_52 = arith.constant 1 : i32
          scf.for %scan3A_54 = %scan3A_49 to %scan3A_51 step %scan3A_52  : i32 {
            %mul3A_55 = arith.constant 16 : i32
            %mul3A_56 = arith.muli %scan3A_54, %mul3A_55 : i32
            %add3A_57 = arith.constant 0 : i32
            %add3A_58 = arith.addi %add3A_57, %mul3A_56 : i32
            %get3A_59 = arith.index_cast %sub3A : i32 to index
            %get3A_60 = arith.index_cast %add3A_58 : i32 to index
            %get3A_61 = tpu.vector_load %arg9[%get3A_59, %get3A_60] {strides = array<i32>} : memref<8x256xf32, #tpu.memory_space<vmem>>, vector<1x16xf32>,
            %get3A_62 = vector.shape_cast %get3A_61 : vector<1x16xf32> to vector<16xf32>
            %get3A_63 = arith.index_cast %add3A_39 : i32 to index
            %get3A_64 = arith.index_cast %add3A_58 : i32 to index
            %get3A_65 = tpu.vector_load %arg8[%get3A_63, %get3A_64] {strides = array<i32>} : memref<128x256xf32, #tpu.memory_space<vmem>>, vector<1x16xf32>,
            %get3A_66 = vector.shape_cast %get3A_65 : vector<1x16xf32> to vector<16xf32>
            %add3A_67 = arith.addf %get3A_62, %get3A_66 : vector<16xf32>
            %swap3A = arith.index_cast %sub3A : i32 to index
            %swap3A_68 = arith.index_cast %add3A_58 : i32 to index
            %swap3A_69 = tpu.vector_load %arg9[%swap3A, %swap3A_68] {strides = array<i32>} : memref<8x256xf32, #tpu.memory_space<vmem>>, vector<1x16xf32>,
            %swap3A_70 = vector.shape_cast %swap3A_69 : vector<1x16xf32> to vector<16xf32>
            %swap3A_71 = vector.shape_cast %add3A_67 : vector<16xf32> to vector<1x16xf32>
            tpu.vector_store %arg9[%swap3A, %swap3A_68], %swap3A_71 {strides = array<i32>} : memref<8x256xf32, #tpu.memory_space<vmem>>, vector<1x16xf32>,
          }
          %scan3A_53 = arith.constant 16 : i32
        } else {
        }
      }
      %scan3A_35 = arith.constant 128 : i32
      "tpu.region"() ({
        %run_scoped3A = tpu.sem_alloc : memref<!tpu.dma_semaphore, #tpu.memory_space<semaphore_mem>>
        %dma_start3A_36 = arith.constant 0 : i32
        %dma_start3A_37 = tpu.memref_slice %arg5[%mul3A_14, %dma_start3A_36] : memref<128x256xf32, #tpu.memory_space<hbm>> -> memref<8x256xf32, #tpu.memory_space<hbm>>
        %dma_start3A_38 = arith.constant 0 : i32
        %dma_start3A_39 = tpu.memref_slice %arg5[%mul3A_14, %dma_start3A_38] : memref<128x256xf32, #tpu.memory_space<hbm>> -> memref<8x256xf32, #tpu.memory_space<hbm>>
        tpu.enqueue_dma source(%arg9 : memref<8x256xf32, #tpu.memory_space<vmem>>) target(%dma_start3A_39 : memref<8x256xf32, #tpu.memory_space<hbm>>) target_semaphore(%run_scoped3A : memref<!tpu.dma_semaphore, #tpu.memory_space<semaphore_mem>>)
        %dma_wait3A_40 = arith.constant 0 : i32
        %dma_wait3A_41 = tpu.memref_slice %arg5[%mul3A_14, %dma_wait3A_40] : memref<128x256xf32, #tpu.memory_space<hbm>> -> memref<8x256xf32, #tpu.memory_space<hbm>>
        %dma_wait3A_42 = arith.constant 0 : i32
        %dma_wait3A_43 = tpu.memref_slice %arg5[%mul3A_14, %dma_wait3A_42] : memref<128x256xf32, #tpu.memory_space<hbm>> -> memref<8x256xf32, #tpu.memory_space<hbm>>
        tpu.wait_dma2 semaphore(%run_scoped3A : memref<!tpu.dma_semaphore, #tpu.memory_space<semaphore_mem>>) src(%arg9 : memref<8x256xf32, #tpu.memory_space<vmem>>) dst(%dma_wait3A_43 : memref<8x256xf32, #tpu.memory_space<hbm>>)
        tpu.yield
      }) : () -> ()
    } else {
    }
    return
  }
}

module attributes {stable_mosaic.version = 14 : i64} {
  func.func @_mix_kernel(%arg0: i32, %arg1: memref<128x256xf32, #tpu.memory_space<vmem>>, %arg2: memref<1x256xf32, #tpu.memory_space<vmem>>, %arg3: memref<16384x128xf32, #tpu.memory_space<vmem>>, %arg4: memref<16384x256xf32, #tpu.memory_space<vmem>>) attributes {dimension_semantics = [#tpu.dimension_semantics<arbitrary>], iteration_bounds = array<i64: 8>, scalar_prefetch = 0 : i64, scratch_operands = 0 : i64, tpu.core_type = #tpu.core_type<tc>, window_params = [{pipeline_mode = #tpu.pipeline_mode<synchronous>, transform_indices = @transform_0, window_bounds = array<i64: 128, 256>}, {pipeline_mode = #tpu.pipeline_mode<synchronous>, transform_indices = @transform_1, window_bounds = array<i64: 1, 256>}, {transform_indices = @transform_2, window_bounds = array<i64: 16384, 128>}, {transform_indices = @transform_3, window_bounds = array<i64: 16384, 256>}]} {
    %get3A = arith.constant 0 : index
    %get3A_0 = arith.constant 0 : index
    %get3A_1 = vector.load %arg3[%get3A, %get3A_0] : memref<16384x128xf32, #tpu.memory_space<vmem>>, vector<16384x128xf32>
    %get3A_2 = arith.constant 0 : index
    %get3A_3 = arith.constant 0 : index
    %get3A_4 = vector.load %arg1[%get3A_2, %get3A_3] : memref<128x256xf32, #tpu.memory_space<vmem>>, vector<128x256xf32>
    %dot_general3A = arith.constant dense<0.000000e+00> : vector<16384x256xf32>
    %dot_general3A_5 = tpu.matmul %get3A_1, %get3A_4, %dot_general3A {dimension_numbers = #tpu.dot_dimension_numbers<[1], [0], [0], [1], [0, 0, 1, 1], [], []>, transpose_lhs_hint = false} : vector<16384x128xf32>, vector<128x256xf32>, vector<16384x256xf32> -> vector<16384x256xf32>
    %get3A_6 = arith.constant 0 : index
    %get3A_7 = arith.constant 0 : index
    %get3A_8 = vector.load %arg2[%get3A_6, %get3A_7] : memref<1x256xf32, #tpu.memory_space<vmem>>, vector<1x256xf32>
    %add3A = vector.broadcast %get3A_8 : vector<1x256xf32> to vector<16384x256xf32>
    %add3A_9 = arith.addf %dot_general3A_5, %add3A : vector<16384x256xf32>
    %swap3A = arith.constant 0 : index
    %swap3A_10 = arith.constant 0 : index
    %swap3A_11 = vector.load %arg4[%swap3A, %swap3A_10] : memref<16384x256xf32, #tpu.memory_space<vmem>>, vector<16384x256xf32>
    tpu.vector_store %arg4[%swap3A, %swap3A_10], %add3A_9 {strides = array<i32>} : memref<16384x256xf32, #tpu.memory_space<vmem>>, vector<16384x256xf32>,
    return
  }
  func.func @transform_0(%arg0: i32) -> (i32, i32) {
    %c0_i32 = arith.constant 0 : i32
    %c0_i32_0 = arith.constant 0 : i32
    %c0_i32_1 = arith.constant 0 : i32
    return %c0_i32, %c0_i32_0 : i32, i32
  }
  func.func @transform_1(%arg0: i32) -> (i32, i32) {
    %c0_i32 = arith.constant 0 : i32
    %c0_i32_0 = arith.constant 0 : i32
    %c0_i32_1 = arith.constant 0 : i32
    return %c0_i32, %c0_i32_0 : i32, i32
  }
  func.func @transform_2(%arg0: i32) -> (i32, i32) {
    %c0_i32 = arith.constant 0 : i32
    %c0_i32_0 = arith.constant 0 : i32
    return %arg0, %c0_i32 : i32, i32
  }
  func.func @transform_3(%arg0: i32) -> (i32, i32) {
    %c0_i32 = arith.constant 0 : i32
    %c0_i32_0 = arith.constant 0 : i32
    return %arg0, %c0_i32 : i32, i32
  }
}

</mosaic_0001>

<sc_bundles>
// kernel: kernel.4.cloned.1.call-start
scs
__scs_entry_jumppad:
0x0: {  	(pc) =	sbr.rel $0x88, $3  }
0x1: {  	(tag) =	ssettag $0x0;
	lr =	simm.s32 $0x1  }
0x2: {  	[smem:$0x3F9C] =	sst lr;
	_ =	strace $0xD0000000  }
0x3: {  	_ = 	snop  }
0x4: {  	_ = 	snop  }
0x5: {  	_ = 	snop  }
0x6: {  	_ = 	snop  }
0x7: {  	_ = 	snop  }
__scs_overlays_trampoline_lowered:
0x8: {  	[smem:$0x3FAB] =	sst s0  }
0x9: {  	[smem:$0x3FAC] =	sst s1  }
0xa: {  	[smem:$0x3FAD] =	sst s2  }
0xb: {  	[smem:$0x3FAE] =	sst s3  }
0xc: {  	[smem:$0x3FAF] =	sst s4  }
0xd: {  	[smem:$0x3FB0] =	sst s5  }
0xe: {  	[smem:$0x3FB1] =	sst s6  }
0xf: {  	[smem:$0x3FB2] =	sst s7  }
0x10: {  	[smem:$0x3FB3] =	sst s8  }
0x11: {  	[smem:$0x3FB4] =	sst s9;
	s0 =	simm.s32 @!p0 $0x0  }
0x12: {  	s1 =	sld [smem:$0x3F9A];
	s0 =	simm.s32 @p0 $0x1  }
0x13: {  	[smem:$0x3FB5] =	sst s0;
	s0 =	simm.s32 @!p1 $0x0  }
0x14: {  	s2 =	sld [smem:$0x3F99];
	s0 =	simm.s32 @p1 $0x1  }
0x15: {  	[smem:$0x3FB6] =	sst s0;
	s0 =	simm.s32 @!p2 $0x0  }
0x16: {  	s3 =	sld [smem:$0x3FDB];
	s0 =	simm.s32 @p2 $0x1  }
0x17: {  	s4 =	simm.s32 $0x1BF5;
	[smem:$0x3FB8] =	sst s0  }
0x18: {  	s0 =	sld [smem:$0x3F9B];
	_ =	swait.ge [sflag:s4], $0x0  }
0x19: {  	s7 =	sld [smem:$0x3F9C]  }
0x1a: {  	s8 =	sadd.s32 $0xFFFFE003, lr  }
0x1b: {  	s9 =	sadd.s32 $0xFFFFFEF7, lr;
	s5 =	simm.s32 $0xFFFFFFFF;
	p2 =	slt.u32 s8, $0xFFFFF086  }
0x1c: {  	p1 =	slt.u32 s9, $0xF7A;
	s5 =	simm.s32 @!p2 $0x0  }
0x1d: {  	s5 =	simm.s32 @p1 $0x1;
	p0 =	seq.s32 s7, s2  }
0x1e: {  	s7 =	smul.u32 @!p0 $0xF7A, s2;
	p2 =	seq.s32 @!p0 s5, $0x0  }
0x1f: {  	s9 =	smul.u32 $0xF7A, s1;
	s8 =	simm.s32 @!p0 $0x1BF5;
	p2 =	por !p2, p0  }
0x20: {  	[sflag:s8] =	ssyncset.s32 @!p0 $0xFFFFF086;
	s6 =	sadd.s32 @!p0 s3, s7;
	s7 =	simm.s32 @!p0 $0x108  }
0x21: {  	s3 =	sadd.s32 s3, s9;
	s6 =	sadd.s32 @!p0 $0x88, s6;
	s7 =	simm.s32 @p2 $0x1082  }
0x22: {  	[simem:s7], [sflag:s8] =	dma.local @!p0 [hbm:s6], $0xF7A  }
0x23: {  	s9 =	sor.u32 $0xD0000000, s2;
	s6 =	simm.s32 $0x108;
	_ =	swait.ge @!p0 [sflag:s8], $0x0  }
0x24: {  	s3 =	sadd.s32 $0x88, s3;
	s6 =	simm.s32 @!p1 $0x1082;
	[sflag:s4] =	ssyncset.s32 $0xFFFFF086  }
0x25: {  	[simem:s6], [sflag:s4] =	dma.local [hbm:s3], $0xF7A  }
0x26: {  	[smem:$0x3F9C] =	sst s1;
	(tag) =	ssettag s2;
	_ =	strace s9  }
0x27: {  	s1 =	sld [smem:$0x3FAC]  }
0x28: {  	s2 =	sld [smem:$0x3FAD]  }
0x29: {  	s4 =	sld [smem:$0x3FAF]  }
0x2a: {  	p0 =	seq.s32 s5, $0x0;
	s5 =	sld [smem:$0x3FB0]  }
0x2b: {  	s6 =	sld [smem:$0x3FB1]  }
0x2c: {  	s7 =	sld [smem:$0x3FB2]  }
0x2d: {  	s3 =	simm.s32 $0x108;
	s8 =	sld [smem:$0x3FB3]  }
0x2e: {  	s3 =	simm.s32 @!p0 $0x1082;
	s9 =	sld [smem:$0x3FB4]  }
0x2f: {  	lr =	sadd.s32 s0, s3;
	s0 =	sld [smem:$0x3FAB]  }
0x30: {  	s3 =	sld [smem:$0x3FAE]  }
0x31: {  	[smem:$0x3FB7] =	sst s10  }
0x32: {  	s10 =	sld [smem:$0x3FB5];
	_ =	sdelay $0x3  }
0x33: {  	p0 =	seq.s32 s10, $0x1;
	s10 =	sld [smem:$0x3FB7];
	_ =	sdelay $0x3  }
0x34: {  	[smem:$0x3FB7] =	sst s10  }
0x35: {  	s10 =	sld [smem:$0x3FB6];
	_ =	sdelay $0x3  }
0x36: {  	p1 =	seq.s32 s10, $0x1;
	s10 =	sld [smem:$0x3FB7];
	_ =	sdelay $0x3  }
0x37: {  	[smem:$0x3FB7] =	sst s10  }
0x38: {  	s10 =	sld [smem:$0x3FB8]  }
0x39: {  	_ = 	snop;
	(pc) =	sbr.ind lr, $3  }
0x3a: {  	_ = 	snop  }
0x3b: {  	_ = 	snop  }
0x3c: {  	p2 =	seq.s32 s10, $0x1;
	s10 =	sld [smem:$0x3FB7]  }
0x3d: {  	_ =	shalt  }
0x3e: {  	_ =	shalt  }
0x3f: {  	_ =	shalt  }
0x40: {  	_ =	shalt  }
0x41: {  	_ =	shalt  }
0x42: {  	_ =	shalt  }
0x43: {  	_ =	shalt  }
0x44: {  	_ =	shalt  }
0x45: {  	_ =	shalt  }
0x46: {  	_ =	shalt  }
0x47: {  	_ =	shalt  }
0x48: {  	_ =	shalt  }
0x49: {  	_ =	shalt  }
0x4a: {  	_ =	shalt  }
0x4b: {  	_ =	shalt  }
0x4c: {  	_ =	shalt  }
0x4d: {  	_ =	shalt  }
0x4e: {  	_ =	shalt  }
0x4f: {  	_ =	shalt  }
0x50: {  	_ =	shalt  }
0x51: {  	_ =	shalt  }
0x52: {  	_ =	shalt  }
0x53: {  	_ =	shalt  }
0x54: {  	_ =	shalt  }
0x55: {  	_ =	shalt  }
0x56: {  	_ =	shalt  }
0x57: {  	_ =	shalt  }
0x58: {  	_ =	shalt  }
0x59: {  	_ =	shalt  }
0x5a: {  	_ =	shalt  }
0x5b: {  	_ =	shalt  }
0x5c: {  	_ =	shalt  }
0x5d: {  	_ =	shalt  }
0x5e: {  	_ =	shalt  }
0x5f: {  	_ =	shalt  }
0x60: {  	_ =	shalt  }
0x61: {  	_ =	shalt  }
0x62: {  	_ =	shalt  }
0x63: {  	_ =	shalt  }
0x64: {  	_ =	shalt  }
0x65: {  	_ =	shalt  }
0x66: {  	_ =	shalt  }
0x67: {  	_ =	shalt  }
0x68: {  	_ =	shalt  }
0x69: {  	_ =	shalt  }
0x6a: {  	_ =	shalt  }
0x6b: {  	_ =	shalt  }
0x6c: {  	_ =	shalt  }
0x6d: {  	_ =	shalt  }
0x6e: {  	_ =	shalt  }
0x6f: {  	_ =	shalt  }
0x70: {  	_ =	shalt  }
0x71: {  	_ =	shalt  }
0x72: {  	_ =	shalt  }
0x73: {  	_ =	shalt  }
0x74: {  	_ =	shalt  }
0x75: {  	_ =	shalt  }
0x76: {  	_ =	shalt  }
0x77: {  	_ =	shalt  }
0x78: {  	_ =	shalt  }
0x79: {  	_ =	shalt  }
0x7a: {  	_ =	shalt  }
0x7b: {  	_ =	shalt  }
0x7c: {  	_ =	shalt  }
0x7d: {  	_ =	shalt  }
0x7e: {  	_ =	shalt  }
0x7f: {  	_ =	shalt  }
0x80: {  	_ =	shalt  }
0x81: {  	_ =	shalt  }
0x82: {  	_ =	shalt  }
0x83: {  	_ =	shalt  }
0x84: {  	_ =	shalt  }
0x85: {  	_ =	shalt  }
0x86: {  	_ =	shalt  }
0x87: {  	_ =	shalt  }
.Lfunc_end0:
.L_simem_size_0:
called_computation_lowered:
.L_overlay_start_0:
0x88: {  	s0 =	sld [smem:$0x3FD9]  }
0x89: {  	s1 =	sld [smem:$0x3FFE];
	_ =	sdelay $0x3  }
0x8a: {  	s0 =	sadd.s32 s1, s0  }
0x8b: {  	[smem:$0x3FC3] =	sst s0  }
0x8c: {  	_ = 	snop  }
0x8d: {  	s0 =	sld [smem:$0x3FC8]  }
0x8e: {  	s16 =	sld [smem:$0x3FC7]  }
0x8f: {  	s2 =	sld [smem:$0x3FC6];
	(tm) =	ssettm $0x1  }
0x90: {  	s3 =	sld [smem:$0x3FFB];
	_ =	sdelay $0x3  }
0x91: {  	_ =	strace s3  }
0x92: {  	s3 =	sld [smem:$0x3FFC];
	_ =	sdelay $0x3  }
0x93: {  	_ =	strace s3  }
0x94: {  	s3 =	sld [smem:$0x3FFD];
	_ =	sdelay $0x3  }
0x95: {  	_ =	strace s3  }
0x96: {  	_ =	strace $0x8FFFFFFF  }
0x97: {  	s17 =	sld [smem:$0x3FDB];
	_ =	sdelay $0x1  }
0x98: {  	s4 =	simm.s32 $_scs_section_size  }
0x99: {  	s5 =	simm.s32 $_size__tile_overlayer_lowered;
	s6 =	simm.s32 $_tile_overlayer_lowered  }
0x9a: {  	s20 =	simm.s32 $0x1BFF;
	s19 =	sshll.u32 s6, $0x1;
	s3 =	sadd.s32 s4, s17  }
0x9b: {  	s7 =	simm.s32 $0x0;
	s18 =	sshll.u32 s5, $0x1;
	s5 =	sadd.s32 s19, s3  }
0x9c: {  	[timem:s7], [sflag:s20] =	dma.local [hbm:s5], s18  }
0x9d: {  	_ =	swait.ge [sflag:s20], s18  }
0x9e: {  	s4 =	ssub.s32 $0x0, s18;
	[sflag:s20] =	ssyncset.done $0x0  }
0x9f: {  	[sflag:s20] =	ssyncadd.s32 s4;
	_ =	sdelay $0x1  }
0xa0: {  	s21 =	simm.s32 $0x1B8B  }
0xa1: {  	_ =	swait.ge [sflag:s21], $0x1  }
0xa2: {  	[sflag:s21] =	ssyncset.done $0x0  }
0xa3: {  	s23 =	simm.s32 $0x1B8E;
	s22 =	sld [smem:$0x3FFE];
	[sflag:s21] =	ssyncadd.s32 $0xFFFFFFFF  }
0xa4: {  	s24 =	simm.s32 $execute0_lowered;
	[smem:$0x3FD2] =	sst s23  }
0xa5: {  	s5 =	sshll.u32 s24, $0x1;
	_ =	strace $0x80000046;
	[dreg:$0x1] =	wrdreg $0xFFFFFFFF  }
0xa6: {  	s25 =	simm.s32 $_size_execute0_lowered;
	s3 =	sadd.s32 s3, s5;
	[dreg:$0x0] =	wrdreg $0x0  }
0xa7: {  	s5 =	sshll.u32 s25, $0x1;
	[dreg:$0x2] =	wrdreg s3  }
0xa8: {  	[dreg:$0x3] =	wrdreg s5  }
0xa9: {  	[dreg:$0x4] =	wrdreg $0xC0  }
0xaa: {  	_ =	task [dreg:s7], $0x5FFFF  }
0xab: {  	[dreg:$0x1] =	wrdreg $0xFFFFFFFF  }
0xac: {  	[dreg:$0x0] =	wrdreg $0x60  }
0xad: {  	[dreg:$0x2] =	wrdreg s0  }
0xae: {  	[dreg:$0x3] =	wrdreg s16  }
0xaf: {  	[dreg:$0x4] =	wrdreg s2  }
0xb0: {  	[dreg:$0x5] =	wrdreg s22  }
0xb1: {  	[dreg:$0x6] =	wrdreg $0x9  }
0xb2: {  	_ =	task.clear_ibuf [dreg:s7], $0x7FFFF;
	_ =	strace $0x90000046  }
0xb3: {  	s26 =	simm.s32 $0x9;
	_ =	strace $0x80000048  }
0xb4: {  	_ =	swait.ge [sflag:s26], $0x1  }
0xb5: {  	[sflag:s26] =	ssyncadd.s32 $0xFFFFFFFF  }
0xb6: {  	_ =	strace $0x90000048  }
0xb7: {  	_ =	sfence  }
0xb8: {  	s28 =	sld [smem:$0x0];
	_ =	sdelay $0x1  }
0xb9: {  	s29 =	srdreg.scid  }
0xba: {  	s30 =	sshll.u32 s29, $0xD;
	s31 =	sshrl.u32 s29, $0x2  }
0xbb: {  	s1 =	sand.u32 $0x1, s29;
	s2 =	sand.u32 $0x4000, s30;
	s0 =	sadd.s32 s31, s28  }
0xbc: {  	s1 =	sor.u32 s2, s1;
	s0 =	sshll.u32 s0, $0x11  }
0xbd: {  	s0 =	sor.u32 s0, s1  }
0xbe: {  	s0 =	sadd.s32 $0x8F2B, s0  }
0xbf: {  	[sflag:s0] =	ssyncadd.remote.s32 $0x1  }
0xc0: {  	_ =	sfence.sel $0xFFFF  }
0xc1: {  	[dreg:$0x0] =	wrdreg $0xFFFFFFFF;
	(pc) =	sbr.abs _section_cstart, $3  }
0xc2: {  	[dreg:$0x1] =	wrdreg $0xFFFFFFFF  }
0xc3: {  	_ =	task.clear_ibuf [dreg:s7], $0x2FFFF;
	_ =	strace $0x9FFFFFFF  }
0xc4: {  	(tm) =	ssettm $0x7FFFFFFF  }
0xc5: {  	_ =	shalt  }
tec
execute0_lowered:
.L_overlay_start_1:
0x0: {  	(tag) =	ssettag $0x1  }
0x1: {  	s4 =	rddreg [dreg:$0x0]  }
0x2: {  	s5 =	rddreg [dreg:$0x1]  }
0x3: {  	s3 =	rddreg [dreg:$0x2]  }
0x4: {  	s2 =	rddreg [dreg:$0x3];
	s1 =	simm.s32 $0x0  }
0x5: {  	[smem:$0x7FF] =	sst s1  }
0x6: {  	s0 =	rddreg [dreg:$0x4];
	_ =	strace $0x80000047  }
0x7: {  	[tilespmem:s1], [sflag:$0x1] =	stream.linear.gather [hbm4b:s4+s1], $0x80, $0x38;
	[tilespmem:$0x8980] =	vst v63  }
0x8: {  	s12 =	simm.s32 $0x100;
	s13 =	simm.s32 $0x3  }
0x9: {  	[tilespmem:s12], [sflag:$0x3] =	stream.linear.gather [hbm4b:s5+s1], $0x80, $0x38;
	[tilespmem:$0x8980] =	vst v63  }
0xa: {  	_ =	swait.ge [sflag:s13], $0x80  }
0xb: {  	[sflag:s13] =	ssyncset.done $0x0  }
0xc: {  	[sflag:s13] =	ssyncadd.s32 $0xFFFFFF80  }
0xd: {  	v0 =	vld [tilespmem:$0x100];
	_ =	sdelay $0x4  }
0xe: {  	v1 =	vshll.u32 v0, $0x1  }
0xf: {  	v2 =	vlaneseq.u32;
	v0 =	vand.u32 $0x7, v0;
	v1 =	vand.u32 $0xFFFFFFF0, v1  }
0x10: {  	v55 =	vand.u32 $0x7, v2;
	v3 =	vshrl.u32 v2, $0x3;
	v0 =	vor.u32 v0, v1  }
0x11: {  	v3 =	vmul.u32 $0x8, v3;
	v4 =	vperm.xlane v0, v55  }
0x12: {  	v2 =	vor.u32 $0x8, v2  }
0x13: {  	v0 =	vperm.xlane v0, v2;
	v4 =	vadd.s32 v3, v4;
	_ =	sdelay $0x1  }
0x14: {  	v0 =	vadd.s32 v3, v0;
	_ =	sdelay $0x1  }
0x15: {  	vm0 =	vmmov $0xffff;
	s14 =	simm.s32 $0x180  }
0x16: {  	[tilespmem:s14], [sflag:$0x2] =	stream.indirect_vreg.gather [hbm4b:s3+s1], $0x80, v4, vm0, $0xb8;
	[tilespmem:$0x8980] =	vst v63  }
0x17: {  	s15 =	simm.s32 $0x980  }
0x18: {  	[tilespmem:s15], [sflag:$0x2] =	stream.indirect_vreg.gather [hbm4b:s3+s1], $0x80, v0, vm0, $0xb8;
	[tilespmem:$0x8980] =	vst v63  }
0x19: {  	v0 =	vld [tilespmem:$0x110];
	_ =	sdelay $0x4  }
0x1a: {  	v56 =	vshll.u32 v0, $0x1  }
0x1b: {  	v0 =	vand.u32 $0x7, v0;
	v4 =	vand.u32 $0xFFFFFFF0, v56  }
0x1c: {  	v0 =	vor.u32 v0, v4  }
0x1d: {  	v4 =	vperm.xlane v0, v55;
	_ =	sdelay $0x1  }
0x1e: {  	v0 =	vperm.xlane v0, v2;
	v4 =	vadd.s32 v3, v4;
	_ =	sdelay $0x1  }
0x1f: {  	v0 =	vadd.s32 v3, v0;
	_ =	sdelay $0x1  }
0x20: {  	s16 =	simm.s32 $0x1180  }
0x21: {  	[tilespmem:s16], [sflag:$0x2] =	stream.indirect_vreg.gather [hbm4b:s3+s1], $0x80, v4, vm0, $0xb8;
	[tilespmem:$0x8980] =	vst v63  }
0x22: {  	s17 =	simm.s32 $0x1980  }
0x23: {  	[tilespmem:s17], [sflag:$0x2] =	stream.indirect_vreg.gather [hbm4b:s3+s1], $0x80, v0, vm0, $0xb8;
	[tilespmem:$0x8980] =	vst v63  }
0x24: {  	v0 =	vld [tilespmem:$0x120];
	_ =	sdelay $0x4  }
0x25: {  	v57 =	vshll.u32 v0, $0x1  }
0x26: {  	v0 =	vand.u32 $0x7, v0;
	v4 =	vand.u32 $0xFFFFFFF0, v57  }
0x27: {  	v0 =	vor.u32 v0, v4  }
0x28: {  	v4 =	vperm.xlane v0, v55;
	_ =	sdelay $0x1  }
0x29: {  	v0 =	vperm.xlane v0, v2;
	v4 =	vadd.s32 v3, v4;
	_ =	sdelay $0x1  }
0x2a: {  	v0 =	vadd.s32 v3, v0;
	_ =	sdelay $0x1  }
0x2b: {  	s18 =	simm.s32 $0x2180  }
0x2c: {  	[tilespmem:s18], [sflag:$0x2] =	stream.indirect_vreg.gather [hbm4b:s3+s1], $0x80, v4, vm0, $0xb8;
	[tilespmem:$0x8980] =	vst v63  }
0x2d: {  	s19 =	simm.s32 $0x2980  }
0x2e: {  	[tilespmem:s19], [sflag:$0x2] =	stream.indirect_vreg.gather [hbm4b:s3+s1], $0x80, v0, vm0, $0xb8;
	[tilespmem:$0x8980] =	vst v63  }
0x2f: {  	v0 =	vld [tilespmem:$0x130];
	_ =	sdelay $0x4  }
0x30: {  	v58 =	vshll.u32 v0, $0x1  }
0x31: {  	v0 =	vand.u32 $0x7, v0;
	v4 =	vand.u32 $0xFFFFFFF0, v58  }
0x32: {  	v0 =	vor.u32 v0, v4  }
0x33: {  	v4 =	vperm.xlane v0, v55;
	_ =	sdelay $0x1  }
0x34: {  	v0 =	vperm.xlane v0, v2;
	v4 =	vadd.s32 v3, v4;
	_ =	sdelay $0x1  }
0x35: {  	v0 =	vadd.s32 v3, v0;
	_ =	sdelay $0x1  }
0x36: {  	s20 =	simm.s32 $0x3180  }
0x37: {  	[tilespmem:s20], [sflag:$0x2] =	stream.indirect_vreg.gather [hbm4b:s3+s1], $0x80, v4, vm0, $0xb8;
	[tilespmem:$0x8980] =	vst v63  }
0x38: {  	s21 =	simm.s32 $0x3980  }
0x39: {  	[tilespmem:s21], [sflag:$0x2] =	stream.indirect_vreg.gather [hbm4b:s3+s1], $0x80, v0, vm0, $0xb8;
	[tilespmem:$0x8980] =	vst v63  }
0x3a: {  	v0 =	vld [tilespmem:$0x140];
	_ =	sdelay $0x4  }
0x3b: {  	v59 =	vshll.u32 v0, $0x1  }
0x3c: {  	v0 =	vand.u32 $0x7, v0;
	v4 =	vand.u32 $0xFFFFFFF0, v59  }
0x3d: {  	v0 =	vor.u32 v0, v4  }
0x3e: {  	v4 =	vperm.xlane v0, v55;
	_ =	sdelay $0x1  }
0x3f: {  	v0 =	vperm.xlane v0, v2;
	v4 =	vadd.s32 v3, v4;
	_ =	sdelay $0x1  }
0x40: {  	v0 =	vadd.s32 v3, v0;
	_ =	sdelay $0x1  }
0x41: {  	s22 =	simm.s32 $0x4180  }
0x42: {  	[tilespmem:s22], [sflag:$0x2] =	stream.indirect_vreg.gather [hbm4b:s3+s1], $0x80, v4, vm0, $0xb8;
	[tilespmem:$0x8980] =	vst v63  }
0x43: {  	s23 =	simm.s32 $0x4980  }
0x44: {  	[tilespmem:s23], [sflag:$0x2] =	stream.indirect_vreg.gather [hbm4b:s3+s1], $0x80, v0, vm0, $0xb8;
	[tilespmem:$0x8980] =	vst v63  }
0x45: {  	v0 =	vld [tilespmem:$0x150];
	_ =	sdelay $0x4  }
0x46: {  	v60 =	vshll.u32 v0, $0x1  }
0x47: {  	v0 =	vand.u32 $0x7, v0;
	v4 =	vand.u32 $0xFFFFFFF0, v60  }
0x48: {  	v0 =	vor.u32 v0, v4  }
0x49: {  	v4 =	vperm.xlane v0, v55;
	_ =	sdelay $0x1  }
0x4a: {  	v0 =	vperm.xlane v0, v2;
	v4 =	vadd.s32 v3, v4;
	_ =	sdelay $0x1  }
0x4b: {  	v0 =	vadd.s32 v3, v0;
	_ =	sdelay $0x1  }
0x4c: {  	s24 =	simm.s32 $0x5180  }
0x4d: {  	[tilespmem:s24], [sflag:$0x2] =	stream.indirect_vreg.gather [hbm4b:s3+s1], $0x80, v4, vm0, $0xb8;
	[tilespmem:$0x8980] =	vst v63  }
0x4e: {  	s25 =	simm.s32 $0x5980  }
0x4f: {  	[tilespmem:s25], [sflag:$0x2] =	stream.indirect_vreg.gather [hbm4b:s3+s1], $0x80, v0, vm0, $0xb8;
	[tilespmem:$0x8980] =	vst v63  }
0x50: {  	v0 =	vld [tilespmem:$0x160];
	_ =	sdelay $0x4  }
0x51: {  	v61 =	vshll.u32 v0, $0x1  }
0x52: {  	v0 =	vand.u32 $0x7, v0;
	v4 =	vand.u32 $0xFFFFFFF0, v61  }
0x53: {  	v0 =	vor.u32 v0, v4  }
0x54: {  	v4 =	vperm.xlane v0, v55;
	_ =	sdelay $0x1  }
0x55: {  	v0 =	vperm.xlane v0, v2;
	v4 =	vadd.s32 v3, v4;
	_ =	sdelay $0x1  }
0x56: {  	v0 =	vadd.s32 v3, v0;
	_ =	sdelay $0x1  }
0x57: {  	s26 =	simm.s32 $0x6180  }
0x58: {  	[tilespmem:s26], [sflag:$0x2] =	stream.indirect_vreg.gather [hbm4b:s3+s1], $0x80, v4, vm0, $0xb8;
	[tilespmem:$0x8980] =	vst v63  }
0x59: {  	s28 =	simm.s32 $0x6980  }
0x5a: {  	[tilespmem:s28], [sflag:$0x2] =	stream.indirect_vreg.gather [hbm4b:s3+s1], $0x80, v0, vm0, $0xb8;
	[tilespmem:$0x8980] =	vst v63  }
0x5b: {  	v0 =	vld [tilespmem:$0x170];
	_ =	sdelay $0x4  }
0x5c: {  	v62 =	vshll.u32 v0, $0x1  }
0x5d: {  	v0 =	vand.u32 $0x7, v0;
	v4 =	vand.u32 $0xFFFFFFF0, v62  }
0x5e: {  	v0 =	vor.u32 v0, v4  }
0x5f: {  	v1 =	vperm.xlane v0, v55;
	_ =	sdelay $0x1  }
0x60: {  	v0 =	vperm.xlane v0, v2;
	v1 =	vadd.s32 v3, v1;
	_ =	sdelay $0x1  }
0x61: {  	v0 =	vadd.s32 v3, v0;
	_ =	sdelay $0x1  }
0x62: {  	s29 =	simm.s32 $0x7180  }
0x63: {  	[tilespmem:s29], [sflag:$0x2] =	stream.indirect_vreg.gather [hbm4b:s3+s1], $0x80, v1, vm0, $0xb8;
	[tilespmem:$0x8980] =	vst v63  }
0x64: {  	s30 =	simm.s32 $0x7980  }
0x65: {  	v63 =	vimm.f32 $0.0e+00;
	[tilespmem:s30], [sflag:$0x2] =	stream.indirect_vreg.gather [hbm4b:s3+s1], $0x80, v0, vm0, $0xb8;
	[tilespmem:$0x8980] =	vst v63  }
0x66: {  	[tilespmem:$0x8180] =	vst v63  }
0x67: {  	[tilespmem:$0x8190] =	vst v63  }
0x68: {  	[tilespmem:$0x81A0] =	vst v63  }
0x69: {  	[tilespmem:$0x81B0] =	vst v63  }
0x6a: {  	[tilespmem:$0x81C0] =	vst v63  }
0x6b: {  	[tilespmem:$0x81D0] =	vst v63  }
0x6c: {  	[tilespmem:$0x81E0] =	vst v63  }
0x6d: {  	[tilespmem:$0x81F0] =	vst v63  }
0x6e: {  	[tilespmem:$0x8580] =	vst v63  }
0x6f: {  	[tilespmem:$0x8590] =	vst v63  }
0x70: {  	[tilespmem:$0x85A0] =	vst v63  }
0x71: {  	[tilespmem:$0x85B0] =	vst v63  }
0x72: {  	[tilespmem:$0x85C0] =	vst v63  }
0x73: {  	[tilespmem:$0x85D0] =	vst v63  }
0x74: {  	[tilespmem:$0x85E0] =	vst v63  }
0x75: {  	[tilespmem:$0x85F0] =	vst v63  }
0x76: {  	[tilespmem:$0x8200] =	vst v63  }
0x77: {  	[tilespmem:$0x8210] =	vst v63  }
0x78: {  	[tilespmem:$0x8220] =	vst v63  }
0x79: {  	[tilespmem:$0x8230] =	vst v63  }
0x7a: {  	[tilespmem:$0x8240] =	vst v63  }
0x7b: {  	[tilespmem:$0x8250] =	vst v63  }
0x7c: {  	[tilespmem:$0x8260] =	vst v63  }
0x7d: {  	[tilespmem:$0x8270] =	vst v63  }
0x7e: {  	[tilespmem:$0x8600] =	vst v63  }
0x7f: {  	[tilespmem:$0x8610] =	vst v63  }
0x80: {  	[tilespmem:$0x8620] =	vst v63  }
0x81: {  	[tilespmem:$0x8630] =	vst v63  }
0x82: {  	[tilespmem:$0x8640] =	vst v63  }
0x83: {  	[tilespmem:$0x8650] =	vst v63  }
0x84: {  	[tilespmem:$0x8660] =	vst v63  }
0x85: {  	[tilespmem:$0x8670] =	vst v63  }
0x86: {  	[tilespmem:$0x8280] =	vst v63  }
0x87: {  	[tilespmem:$0x8290] =	vst v63  }
0x88: {  	[tilespmem:$0x82A0] =	vst v63  }
0x89: {  	[tilespmem:$0x82B0] =	vst v63  }
0x8a: {  	[tilespmem:$0x82C0] =	vst v63  }
0x8b: {  	[tilespmem:$0x82D0] =	vst v63  }
0x8c: {  	[tilespmem:$0x82E0] =	vst v63  }
0x8d: {  	[tilespmem:$0x82F0] =	vst v63  }
0x8e: {  	[tilespmem:$0x8680] =	vst v63  }
0x8f: {  	[tilespmem:$0x8690] =	vst v63  }
0x90: {  	[tilespmem:$0x86A0] =	vst v63  }
0x91: {  	[tilespmem:$0x86B0] =	vst v63  }
0x92: {  	[tilespmem:$0x86C0] =	vst v63  }
0x93: {  	[tilespmem:$0x86D0] =	vst v63  }
0x94: {  	[tilespmem:$0x86E0] =	vst v63  }
0x95: {  	[tilespmem:$0x86F0] =	vst v63  }
0x96: {  	[tilespmem:$0x8300] =	vst v63  }
0x97: {  	[tilespmem:$0x8310] =	vst v63  }
0x98: {  	[tilespmem:$0x8320] =	vst v63  }
0x99: {  	[tilespmem:$0x8330] =	vst v63  }
0x9a: {  	[tilespmem:$0x8340] =	vst v63  }
0x9b: {  	[tilespmem:$0x8350] =	vst v63  }
0x9c: {  	[tilespmem:$0x8360] =	vst v63  }
0x9d: {  	[tilespmem:$0x8370] =	vst v63  }
0x9e: {  	[tilespmem:$0x8700] =	vst v63  }
0x9f: {  	[tilespmem:$0x8710] =	vst v63  }
0xa0: {  	[tilespmem:$0x8720] =	vst v63  }
0xa1: {  	[tilespmem:$0x8730] =	vst v63  }
0xa2: {  	[tilespmem:$0x8740] =	vst v63  }
0xa3: {  	[tilespmem:$0x8750] =	vst v63  }
0xa4: {  	[tilespmem:$0x8760] =	vst v63  }
0xa5: {  	[tilespmem:$0x8770] =	vst v63  }
0xa6: {  	[tilespmem:$0x8380] =	vst v63  }
0xa7: {  	[tilespmem:$0x8390] =	vst v63  }
0xa8: {  	[tilespmem:$0x83A0] =	vst v63  }
0xa9: {  	[tilespmem:$0x83B0] =	vst v63  }
0xaa: {  	[tilespmem:$0x83C0] =	vst v63  }
0xab: {  	[tilespmem:$0x83D0] =	vst v63  }
0xac: {  	[tilespmem:$0x83E0] =	vst v63  }
0xad: {  	[tilespmem:$0x83F0] =	vst v63  }
0xae: {  	[tilespmem:$0x8780] =	vst v63  }
0xaf: {  	[tilespmem:$0x8790] =	vst v63  }
0xb0: {  	[tilespmem:$0x87A0] =	vst v63  }
0xb1: {  	[tilespmem:$0x87B0] =	vst v63  }
0xb2: {  	[tilespmem:$0x87C0] =	vst v63  }
0xb3: {  	[tilespmem:$0x87D0] =	vst v63  }
0xb4: {  	[tilespmem:$0x87E0] =	vst v63  }
0xb5: {  	[tilespmem:$0x87F0] =	vst v63  }
0xb6: {  	[tilespmem:$0x8400] =	vst v63  }
0xb7: {  	[tilespmem:$0x8410] =	vst v63  }
0xb8: {  	[tilespmem:$0x8420] =	vst v63  }
0xb9: {  	[tilespmem:$0x8430] =	vst v63  }
0xba: {  	[tilespmem:$0x8440] =	vst v63  }
0xbb: {  	[tilespmem:$0x8450] =	vst v63  }
0xbc: {  	[tilespmem:$0x8460] =	vst v63  }
0xbd: {  	[tilespmem:$0x8470] =	vst v63  }
0xbe: {  	[tilespmem:$0x8800] =	vst v63  }
0xbf: {  	[tilespmem:$0x8810] =	vst v63  }
0xc0: {  	[tilespmem:$0x8820] =	vst v63  }
0xc1: {  	[tilespmem:$0x8830] =	vst v63  }
0xc2: {  	[tilespmem:$0x8840] =	vst v63  }
0xc3: {  	[tilespmem:$0x8850] =	vst v63  }
0xc4: {  	[tilespmem:$0x8860] =	vst v63  }
0xc5: {  	[tilespmem:$0x8870] =	vst v63  }
0xc6: {  	[tilespmem:$0x8480] =	vst v63  }
0xc7: {  	[tilespmem:$0x8490] =	vst v63  }
0xc8: {  	[tilespmem:$0x84A0] =	vst v63  }
0xc9: {  	[tilespmem:$0x84B0] =	vst v63  }
0xca: {  	[tilespmem:$0x84C0] =	vst v63  }
0xcb: {  	[tilespmem:$0x84D0] =	vst v63  }
0xcc: {  	[tilespmem:$0x84E0] =	vst v63  }
0xcd: {  	[tilespmem:$0x84F0] =	vst v63  }
0xce: {  	[tilespmem:$0x8880] =	vst v63  }
0xcf: {  	[tilespmem:$0x8890] =	vst v63  }
0xd0: {  	[tilespmem:$0x88A0] =	vst v63  }
0xd1: {  	[tilespmem:$0x88B0] =	vst v63  }
0xd2: {  	[tilespmem:$0x88C0] =	vst v63  }
0xd3: {  	[tilespmem:$0x88D0] =	vst v63  }
0xd4: {  	[tilespmem:$0x88E0] =	vst v63  }
0xd5: {  	[tilespmem:$0x88F0] =	vst v63  }
0xd6: {  	[tilespmem:$0x8500] =	vst v63  }
0xd7: {  	[tilespmem:$0x8510] =	vst v63  }
0xd8: {  	[tilespmem:$0x8520] =	vst v63  }
0xd9: {  	[tilespmem:$0x8530] =	vst v63  }
0xda: {  	[tilespmem:$0x8540] =	vst v63  }
0xdb: {  	[tilespmem:$0x8550] =	vst v63  }
0xdc: {  	[tilespmem:$0x8560] =	vst v63  }
0xdd: {  	[tilespmem:$0x8570] =	vst v63  }
0xde: {  	[tilespmem:$0x8900] =	vst v63  }
0xdf: {  	[tilespmem:$0x8910] =	vst v63  }
0xe0: {  	[tilespmem:$0x8920] =	vst v63  }
0xe1: {  	[tilespmem:$0x8930] =	vst v63  }
0xe2: {  	[tilespmem:$0x8940] =	vst v63  }
0xe3: {  	[tilespmem:$0x8950] =	vst v63  }
0xe4: {  	[tilespmem:$0x8960] =	vst v63  }
0xe5: {  	s31 =	simm.s32 $0x1;
	[tilespmem:$0x8970] =	vst v63  }
0xe6: {  	_ =	swait.ge [sflag:s31], $0x80  }
.Ltmp0:
0xe7: {  	[sflag:s31] =	ssyncset.done $0x0;
	(pc) =	sbr.rel .LBB2_1-.Ltmp0, $4  }
0xe8: {  	s6 =	simm.s32 $0x2;
	[sflag:s31] =	ssyncadd.s32 $0xFFFFFF80  }
0xe9: {  	s3 =	stileid.u32;
	_ =	swait.ge [sflag:s6], $0x8000  }
0xea: {  	s4 =	sshll.u32 s3, $0x3;
	[sflag:s6] =	ssyncset.done $0x0  }
0xeb: {  	s2 =	sadd.s32 $0x400, s2;
	s5 =	sadd.s32 $0x8, s4;
	[sflag:s6] =	ssyncadd.s32 $0xFFFF8000  }
.LBB2_5:
0xec: {  	s1 =	sadd.s32 $0x1, s1  }
0xed: {  	p0 =	sne.s32 s1, $0x80  }
.Ltmp1:
0xee: {  	_ = 	snop;
	(pc) =	sbr.rel @!p0 .LBB2_6-.Ltmp1, $1  }
0xef: {  	_ =	sdelay $0x3  }
.LBB2_1:
0xf0: {  	v0 =	vld [tilespmem:s1+$0x0];
	_ =	sdelay $0x4  }
0xf1: {  	(v2sf) =	vpush v0, $0x0;
	_ =	sdelay $0xe  }
0xf2: {  	s6 =	spop (v2sf)  }
0xf3: {  	p0 =	slt.s32 s6, s4  }
0xf4: {  	p1 =	sge.s32 @!p0 s6, s5  }
0xf5: {  	p0 =	por p0, p1  }
.Ltmp2:
0xf6: {  	_ = 	snop;
	(pc) =	sbr.rel @p0 .LBB2_5-.Ltmp2, $1  }
0xf7: {  	_ =	sdelay $0x3  }
0xf8: {  	s7 =	ssub.s32 s6, s4;
	s8 =	sshll.u32 s1, $0x8  }
0xf9: {  	s9 =	sshll.u32 s1, $0x7;
	s28 =	sshll.u32 s6, $0x7;
	s29 =	simm.s32 $0x0  }
0xfa: {  	s7 =	sshll.u32 s7, $0x8;
	s8 =	sand.u32 $0x7800, s8;
	s9 =	sand.u32 $0x380, s9  }
0xfb: {  	s6 =	sand.u32 $0x380, s28;
	s7 =	sand.u32 $0xFFFFF800, s7;
	s8 =	sor.u32 s9, s8  }
0xfc: {  	s30 =	sand.u32 $0x400, s29;
	s7 =	sor.u32 s6, s7;
	s6 =	sadd.s32 $0x180, s8  }
0xfd: {  	s9 =	sand.u32 $0x70, s29;
	s7 =	sadd.s32 $0x8180, s7;
	s10 =	sadd.s32 s30, s6  }
0xfe: {  	s8 =	sadd.s32 s30, s7;
	s10 =	sadd.s32 s9, s10  }
0xff: {  	s8 =	sadd.s32 s9, s8;
	v0 =	vld [tilespmem:s10+$0x0]  }
0x100: {  	v1 =	vld [tilespmem:s8+$0x0];
	_ =	sdelay $0x3  }
0x101: {  	s9 =	simm.s32 $0x80  }
0x102: {  	s31 =	simm.s32 $0x10;
	s12 =	sand.u32 $0x400, s9;
	v0 =	vadd.f32 v0, v1  }
0x103: {  	s11 =	sand.u32 $0x70, s31;
	s10 =	simm.s32 $0x20;
	s13 =	sadd.s32 s12, s6  }
.LBB2_3:
0x104: {  	p0 =	sne.s32 s10, $0xF0;
	s12 =	sadd.s32 s12, s7;
	s13 =	sadd.s32 s11, s13;
	[tilespmem:s8+$0x0] =	vst v0  }
0x105: {  	s8 =	sadd.s32 s11, s12;
	v0 =	vld [tilespmem:s13+$0x0]  }
0x106: {  	v1 =	vld [tilespmem:s8+$0x0];
	_ =	sdelay $0x1  }
.Ltmp3:
0x107: {  	(pc) =	sbr.rel @p0 .LBB2_3-.Ltmp3, $4  }
0x108: {  	_ = 	snop  }
0x109: {  	s9 =	sadd.s32 $0x80, s9  }
0x10a: {  	s12 =	sand.u32 $0x400, s9;
	v0 =	vadd.f32 v0, v1  }
0x10b: {  	s11 =	sand.u32 $0x70, s10;
	s10 =	sadd.s32 $0x10, s10;
	s13 =	sadd.s32 s12, s6  }
0x10c: {  	s6 =	sadd.s32 s12, s7;
	s31 =	sadd.s32 s11, s13;
	[tilespmem:s8+$0x0] =	vst v0  }
0x10d: {  	s6 =	sadd.s32 s11, s6;
	v0 =	vld [tilespmem:s31+$0x0]  }
0x10e: {  	v1 =	vld [tilespmem:s6+$0x0];
	_ =	sdelay $0x2  }
.Ltmp4:
0x10f: {  	_ = 	snop;
	(pc) =	sbr.rel .LBB2_5-.Ltmp4, $3  }
0x110: {  	_ = 	snop  }
0x111: {  	v0 =	vadd.f32 v0, v1;
	_ =	sdelay $0x1  }
0x112: {  	[tilespmem:s6+$0x0] =	vst v0  }
.LBB2_6:
0x113: {  	s1 =	sshll.u32 s3, $0x8;
	s30 =	simm.s32 $0x0  }
0x114: {  	s4 =	simm.s32 $0x8180;
	s31 =	simm.s32 $0x3;
	s1 =	sadd.s32 s2, s1  }
0x115: {  	[hbm4b:s1+s30] =	stream.linear.scatter [tilespmem:s4], [sflag:$0x3], $0x800, $0x38;
	[tilespmem:$0x8980] =	vst v63  }
0x116: {  	_ =	swait.ge [sflag:s31], $0x800  }
0x117: {  	[sflag:s31] =	ssyncset.done $0x0  }
0x118: {  	[sflag:s31] =	ssyncadd.s32 $0xFFFFF800  }
0x119: {  	_ =	sfence.sel $0x180000  }
0x11a: {  	[bflag:$0x0] =	sbarrier.arrive $0xFFFF  }
0x11b: {  	p0 =	sne.s32 s3, $0x0;
	_ =	strace $0x90000047  }
0x11c: {  	s0 =	sadd.s32 @!p0 $0x100000, s0;
	[bflag:$0x2] =	sbarrier.arrive $0xFFFF  }
0x11d: {  	[sflag:s0] =	ssyncadd.tile.s32 @!p0 $0x1;
	_ =	shalt  }
.Lfunc_end2:
_tile_overlayer_lowered:
.L_overlay_start_2:
0x11e: {  	(tag) =	ssettag $0x2  }
0x11f: {  	s0 =	rddreg [dreg:$0x0];
	s2 =	stileid.u32  }
0x120: {  	s1 =	rddreg [dreg:$0x1];
	p0 =	sne.s32 s2, $0x0  }
0x121: {  	s3 =	rddreg [dreg:$0x2];
	[bflag:$0x3] =	sbarrier.arrive $0xFFFF;
	s2 =	simm.s32 @!p0 $0x1C03  }
0x122: {  	[timem:s3], [sflag:s2] =	dma.local @!p0 [hbm:s0], s1  }
0x123: {  	s0 =	simm.s32 @!p0 $0x3  }
0x124: {  	_ =	swait.ge @!p0 [sflag:s0], s1  }
0x125: {  	s1 =	ssub.s32 @!p0 $0x0, s1;
	[sflag:s0] =	ssyncset.done @!p0 $0x0  }
0x126: {  	[sflag:s0] =	ssyncadd.s32 @!p0 s1  }
0x127: {  	[bflag:$0x3] =	sbarrier.arrive $0xFFFF  }
0x128: {  	_ =	shalt  }

</sc_bundles>
